<compile_context>
chip_gen: v7x
topology: tpu7x:2x2x1
jax: 0.10.2.dev20260603
libtpu: 0.0.44.dev20260713+nightly
codegen_flags: <defaults>
</compile_context>

<pallas_src>
import jax
import jax.numpy as jnp
from jax import lax
from jax.experimental import pallas as pl
from jax.experimental.pallas import tpu as pltpu
from jax.experimental.pallas import tpu_sc as plsc

DEPTH = 1000
B_CONST = 1024
DCHUNK = 40
CHUNK_WORDS = DCHUNK * B_CONST
NCHUNKS_PER_SLAB = DEPTH // DCHUNK
L = 16


def _sc_body(
    xt_hbm, on_hbm, off_hbm, out_hbm, xc0, xc1, buf0, buf1, on_v, off_v, s0, s1
):
    info = plsc.get_sparse_core_info()
    nc = info.num_cores
    nw = nc * info.num_subcores
    s, b = xt_hbm.shape
    n_chunks = s * NCHUNKS_PER_SLAB
    wid = lax.axis_index("s") * nc + lax.axis_index("c")
    xcols = (xc0, xc1)
    bufs = (buf0, buf1)
    sems = (s0, s1)
    n_m = pl.cdiv(n_chunks, nw)

    pltpu.sync_copy(on_hbm, on_v)
    pltpu.sync_copy(off_hbm, off_v)
    on_vec = on_v[...]
    off_vec = off_v[...]

    def fill(t, _):
        buf0[pl.ds(t * L, L)] = off_vec
        buf1[pl.ds(t * L, L)] = off_vec
        return 0

    lax.fori_loop(0, CHUNK_WORDS // L, fill, 0)

    lanes = lax.iota(jnp.int32, L)

    def run(t, _):
        for bb in range(2):
            m = 2 * t + bb
            c = wid + nw * m
            xcol = xcols[bb]
            buf = bufs[bb]
            sem = sems[bb]

            @pl.when(c < n_chunks)
            def _():
                @pl.when(t > 0)
                def _wait_restore():
                    pltpu.make_async_copy(
                        buf, out_hbm.at[pl.ds(c * CHUNK_WORDS, CHUNK_WORDS)], sem
                    ).wait()
                    c_prev = c - 2 * nw
                    dlo_prev = (c_prev % NCHUNKS_PER_SLAB) * DCHUNK

                    def restore(k, v_carry):
                        v = xcol[pl.ds(k * L, L)]
                        ld = v - dlo_prev
                        mask = (ld >= 0) & (ld < DCHUNK)
                        idx = (
                            ((ld >> 3) << 13)
                            + ((ld & 7) << 7)
                            + ((k >> 3) << 10)
                            + ((k & 7) << 4)
                            + lanes
                        )
                        plsc.store_scatter(buf, [idx], v_carry, mask=mask)
                        return v_carry

                    lax.fori_loop(0, b // L, restore, off_vec)

                j = c // NCHUNKS_PER_SLAB
                dlo = (c % NCHUNKS_PER_SLAB) * DCHUNK
                pltpu.sync_copy(xt_hbm.at[j], xcol)

                def poke_on(k, v_carry):
                    v = xcol[pl.ds(k * L, L)]
                    ld = v - dlo
                    mask = (ld >= 0) & (ld < DCHUNK)
                    idx = (
                        ((ld >> 3) << 13)
                        + ((ld & 7) << 7)
                        + ((k >> 3) << 10)
                        + ((k & 7) << 4)
                        + lanes
                    )
                    plsc.store_scatter(buf, [idx], v_carry, mask=mask)
                    return v_carry

                lax.fori_loop(0, b // L, poke_on, on_vec)
                pltpu.make_async_copy(
                    buf, out_hbm.at[pl.ds(c * CHUNK_WORDS, CHUNK_WORDS)], sem
                ).start()

        return 0

    lax.fori_loop(0, pl.cdiv(n_m, 2), run, 0)

    for bb in range(2):
        last_c = wid
        pltpu.make_async_copy(
            bufs[bb], out_hbm.at[pl.ds(last_c * 0, CHUNK_WORDS)], sems[bb]
        ).wait()


def kernel(x, on_value, off_value):
    B, S = x.shape
    xt = x.T
    on16 = jnp.full((L,), on_value, jnp.float32)
    off16 = jnp.full((L,), off_value, jnp.float32)
    mesh = plsc.VectorSubcoreMesh(core_axis_name="c", subcore_axis_name="s")
    f = pl.kernel(
        _sc_body,
        out_type=jax.ShapeDtypeStruct((S * DEPTH * B,), jnp.float32),
        mesh=mesh,
        compiler_params=pltpu.CompilerParams(
            use_tc_tiling_on_sc=False, needs_layout_passes=False
        ),
        scratch_types=[
            pltpu.VMEM((B_CONST,), jnp.int32),
            pltpu.VMEM((B_CONST,), jnp.int32),
            pltpu.VMEM((CHUNK_WORDS,), jnp.float32),
            pltpu.VMEM((CHUNK_WORDS,), jnp.float32),
            pltpu.VMEM((L,), jnp.float32),
            pltpu.VMEM((L,), jnp.float32),
            pltpu.SemaphoreType.DMA,
            pltpu.SemaphoreType.DMA,
        ],
    )
    out = f(xt, on16, off16)
    out5 = out.reshape(S, DEPTH // 8, B // 128, 8, 128)
    return out5.transpose(2, 4, 0, 1, 3).reshape(B, S, DEPTH)

# --- scband reference (transcript-rebuilt; emitter-appended) ---
"""Pipeline reference for scband-one-hot-layer-32263794327741 (READ-ONLY COPY).

The authoritative reference and input builder live on the scoring server;
editing this copy changes nothing except your own understanding.
"""

import jax, jax.numpy as jnp
import numpy as np

DEPTH = 1000

def setup_inputs(seed: int = 0) -> dict:
    key = jax.random.key(seed)
    x = jax.random.randint(key, (1024, 50), 0, DEPTH, dtype=jnp.int32)
    on_value = jnp.asarray(1.0, dtype=jnp.float32)
    off_value = jnp.asarray(0.0, dtype=jnp.float32)
    return {"x": x, "on_value": on_value, "off_value": off_value}

def reference(x, on_value, off_value):
    # tf.one_hot(x, depth, on_value, off_value, axis=-1) equivalent:
    # one-hot mask times on_value, complement times off_value.
    oh = jax.nn.one_hot(x, DEPTH, dtype=jnp.float32)
    return oh * on_value + (1.0 - oh) * off_value

if __name__ == "__main__":
    import jax
    _d = setup_inputs()
    print(jax.jit(kernel)(*tuple(_d.values())))

</pallas_src>

<mosaic_0001>
#map = affine_map<(d0, d1) -> (0, 0)>
#map1 = affine_map<(d0, d1) -> (0)>
module attributes {stable_mosaic.version = 14 : i64} {
  func.func @_sc_body(%arg0: i32, %arg1: i32, %arg2: memref<50x1024xi32, #tpu.memory_space<hbm>>, %arg3: memref<16xf32, #tpu.memory_space<hbm>>, %arg4: memref<16xf32, #tpu.memory_space<hbm>>, %arg5: memref<51200000xf32, #tpu.memory_space<hbm>>, %arg6: memref<1024xi32, #tpu.memory_space<vmem>>, %arg7: memref<1024xi32, #tpu.memory_space<vmem>>, %arg8: memref<40960xf32, #tpu.memory_space<vmem>>, %arg9: memref<40960xf32, #tpu.memory_space<vmem>>, %arg10: memref<16xf32, #tpu.memory_space<vmem>>, %arg11: memref<16xf32, #tpu.memory_space<vmem>>, %arg12: memref<!tpu.dma_semaphore, #tpu.memory_space<semaphore_mem>>, %arg13: memref<!tpu.dma_semaphore, #tpu.memory_space<semaphore_mem>>) attributes {dimension_semantics = [#tpu.dimension_semantics<core_parallel>, #tpu.dimension_semantics<subcore_parallel>], iteration_bounds = array<i64: 2, 16>, scalar_prefetch = 0 : i64, scratch_operands = 8 : i64, tpu.core_type = #tpu.core_type<sc_vector_subcore>, window_params = [{transform_indices = #map}, {transform_indices = #map1}, {transform_indices = #map1}, {transform_indices = #map1}]} {
    %mul3A = arith.constant 2 : i32
    %mul3A_0 = arith.muli %arg1, %mul3A : i32
    %add3A = arith.addi %mul3A_0, %arg0 : i32
    "tpu.region"() ({
      %run_scoped3A = tpu.sem_alloc : memref<!tpu.dma_semaphore, #tpu.memory_space<semaphore_mem>>
      tpu.enqueue_dma source(%arg3 : memref<16xf32, #tpu.memory_space<hbm>>) target(%arg10 : memref<16xf32, #tpu.memory_space<vmem>>) target_semaphore(%run_scoped3A : memref<!tpu.dma_semaphore, #tpu.memory_space<semaphore_mem>>)
      tpu.wait_dma2 semaphore(%run_scoped3A : memref<!tpu.dma_semaphore, #tpu.memory_space<semaphore_mem>>) src(%arg3 : memref<16xf32, #tpu.memory_space<hbm>>) dst(%arg10 : memref<16xf32, #tpu.memory_space<vmem>>)
      tpu.yield
    }) : () -> ()
    "tpu.region"() ({
      %run_scoped3A = tpu.sem_alloc : memref<!tpu.dma_semaphore, #tpu.memory_space<semaphore_mem>>
      tpu.enqueue_dma source(%arg4 : memref<16xf32, #tpu.memory_space<hbm>>) target(%arg11 : memref<16xf32, #tpu.memory_space<vmem>>) target_semaphore(%run_scoped3A : memref<!tpu.dma_semaphore, #tpu.memory_space<semaphore_mem>>)
      tpu.wait_dma2 semaphore(%run_scoped3A : memref<!tpu.dma_semaphore, #tpu.memory_space<semaphore_mem>>) src(%arg4 : memref<16xf32, #tpu.memory_space<hbm>>) dst(%arg11 : memref<16xf32, #tpu.memory_space<vmem>>)
      tpu.yield
    }) : () -> ()
    %get3A = arith.constant 0 : index
    %get3A_1 = tpu.vector_load %arg10[%get3A] {strides = array<i32>} : memref<16xf32, #tpu.memory_space<vmem>>, vector<16xf32>,
    %get3A_2 = arith.constant 0 : index
    %get3A_3 = tpu.vector_load %arg11[%get3A_2] {strides = array<i32>} : memref<16xf32, #tpu.memory_space<vmem>>, vector<16xf32>,
    %scan3A = arith.constant 0 : i32
    %scan3A_4 = arith.constant 0 : i32
    %scan3A_5 = arith.constant 2560 : i32
    %scan3A_6 = arith.addi %scan3A_4, %scan3A_5 : i32
    %scan3A_7 = arith.constant 1 : i32
    %scan3A_8 = scf.for %scan3A_24 = %scan3A_4 to %scan3A_6 step %scan3A_7 iter_args(%scan3A_25 = %scan3A) -> (i32)  : i32 {
      %mul3A_26 = arith.constant 16 : i32
      %mul3A_27 = arith.muli %scan3A_24, %mul3A_26 : i32
      %swap3A = arith.index_cast %mul3A_27 : i32 to index
      %swap3A_28 = tpu.vector_load %arg8[%swap3A] {strides = array<i32>} : memref<40960xf32, #tpu.memory_space<vmem>>, vector<16xf32>,
      tpu.vector_store %arg8[%swap3A], %get3A_3 {strides = array<i32>} : memref<40960xf32, #tpu.memory_space<vmem>>, vector<16xf32>,
      %mul3A_29 = arith.constant 16 : i32
      %mul3A_30 = arith.muli %scan3A_24, %mul3A_29 : i32
      %swap3A_31 = arith.index_cast %mul3A_30 : i32 to index
      %swap3A_32 = tpu.vector_load %arg9[%swap3A_31] {strides = array<i32>} : memref<40960xf32, #tpu.memory_space<vmem>>, vector<16xf32>,
      tpu.vector_store %arg9[%swap3A_31], %get3A_3 {strides = array<i32>} : memref<40960xf32, #tpu.memory_space<vmem>>, vector<16xf32>,
      %scan3A_33 = arith.constant 0 : i32
      scf.yield %scan3A_33 : i32
    }
    %scan3A_9 = arith.constant 2560 : i32
    %iota3A = tpu.iota {dimensions = array<i32: 0>} : vector<16xi32>
    %scan3A_10 = arith.constant 0 : i32
    %scan3A_11 = arith.constant 0 : i32
    %scan3A_12 = arith.constant 20 : i32
    %scan3A_13 = arith.addi %scan3A_11, %scan3A_12 : i32
    %scan3A_14 = arith.constant 1 : i32
    %scan3A_15 = scf.for %scan3A_24 = %scan3A_11 to %scan3A_13 step %scan3A_14 iter_args(%scan3A_25 = %scan3A_10) -> (i32)  : i32 {
      %mul3A_26 = arith.constant 2 : i32
      %mul3A_27 = arith.muli %mul3A_26, %scan3A_24 : i32
      %add3A_28 = arith.constant 0 : i32
      %add3A_29 = arith.addi %mul3A_27, %add3A_28 : i32
      %mul3A_30 = arith.constant 32 : i32
      %mul3A_31 = arith.muli %mul3A_30, %add3A_29 : i32
      %add3A_32 = arith.addi %add3A, %mul3A_31 : i32
      %lt3A = arith.constant 1250 : i32
      %lt3A_33 = arith.cmpi slt, %add3A_32, %lt3A : i32
      %convert_element_type3A = arith.extui %lt3A_33 : i1 to i32
      %cond3A = arith.constant 0 : i32
      %cond3A_34 = arith.cmpi ne, %convert_element_type3A, %cond3A : i32
      scf.if %cond3A_34 {
        %gt3A = arith.constant 0 : i32
        %gt3A_48 = arith.cmpi sgt, %scan3A_24, %gt3A : i32
        %convert_element_type3A_49 = arith.extui %gt3A_48 : i1 to i32
        %cond3A_50 = arith.constant 0 : i32
        %cond3A_51 = arith.cmpi ne, %convert_element_type3A_49, %cond3A_50 : i32
        scf.if %cond3A_51 {
          %mul3A_93 = arith.constant 40960 : i32
          %mul3A_94 = arith.muli %add3A_32, %mul3A_93 : i32
          %dma_wait3A_95 = tpu.memref_slice %arg5[%mul3A_94] : memref<51200000xf32, #tpu.memory_space<hbm>> -> memref<40960xf32, #tpu.memory_space<hbm>>
          %dma_wait3A_96 = tpu.memref_slice %arg5[%mul3A_94] : memref<51200000xf32, #tpu.memory_space<hbm>> -> memref<40960xf32, #tpu.memory_space<hbm>>
          tpu.wait_dma2 semaphore(%arg12 : memref<!tpu.dma_semaphore, #tpu.memory_space<semaphore_mem>>) src(%arg8 : memref<40960xf32, #tpu.memory_space<vmem>>) dst(%dma_wait3A_96 : memref<40960xf32, #tpu.memory_space<hbm>>)
          %sub3A_97 = arith.constant 64 : i32
          %sub3A_98 = arith.subi %add3A_32, %sub3A_97 : i32
          %jit3A_99 = arith.constant 25 : i32
          %eq3A_100 = arith.constant 0 : i32
          %eq3A_101 = arith.cmpi eq, %jit3A_99, %eq3A_100 : i32
          %jit3A_102 = arith.constant 1 : i32
          %select_n3A_103 = arith.select %eq3A_101, %jit3A_102, %jit3A_99 : i32
          %rem3A_104 = arith.remsi %sub3A_98, %select_n3A_103 : i32
          %ne3A_105 = arith.constant 0 : i32
          %ne3A_106 = arith.cmpi ne, %rem3A_104, %ne3A_105 : i32
          %lt3A_107 = arith.constant 0 : i32
          %lt3A_108 = arith.cmpi slt, %rem3A_104, %lt3A_107 : i32
          %lt3A_109 = arith.constant 0 : i32
          %lt3A_110 = arith.cmpi slt, %select_n3A_103, %lt3A_109 : i32
          %ne3A_111 = arith.xori %lt3A_108, %lt3A_110 : i1
          %and3A_112 = arith.andi %ne3A_111, %ne3A_106 : i1
          %add3A_113 = arith.addi %rem3A_104, %select_n3A_103 : i32
          %select_n3A_114 = arith.select %and3A_112, %add3A_113, %rem3A_104 : i32
          %mul3A_115 = arith.constant 40 : i32
          %mul3A_116 = arith.muli %select_n3A_114, %mul3A_115 : i32
          %scan3A_117 = arith.constant 0 : i32
          %scan3A_118 = arith.constant 64 : i32
          %scan3A_119 = arith.addi %scan3A_117, %scan3A_118 : i32
          %scan3A_120 = arith.constant 1 : i32
          scf.for %scan3A_122 = %scan3A_117 to %scan3A_119 step %scan3A_120  : i32 {
            %mul3A_123 = arith.constant 16 : i32
            %mul3A_124 = arith.muli %scan3A_122, %mul3A_123 : i32
            %get3A_125 = arith.index_cast %mul3A_124 : i32 to index
            %get3A_126 = tpu.vector_load %arg6[%get3A_125] {strides = array<i32>} : memref<1024xi32, #tpu.memory_space<vmem>>, vector<16xi32>,
            %sub3A_127 = vector.broadcast %mul3A_116 : i32 to vector<16xi32>
            %sub3A_128 = arith.subi %get3A_126, %sub3A_127 : vector<16xi32>
            %ge3A = arith.constant 0 : i32
            %ge3A_129 = vector.broadcast %ge3A : i32 to vector<16xi32>
            %ge3A_130 = arith.cmpi sge, %sub3A_128, %ge3A_129 : vector<16xi32>
            %lt3A_131 = arith.constant 40 : i32
            %lt3A_132 = vector.broadcast %lt3A_131 : i32 to vector<16xi32>
            %lt3A_133 = arith.cmpi slt, %sub3A_128, %lt3A_132 : vector<16xi32>
            %and3A_134 = arith.andi %ge3A_130, %lt3A_133 : vector<16xi1>
            %shift_right_arithmetic3A = arith.constant 3 : i32
            %shift_right_arithmetic3A_135 = vector.broadcast %shift_right_arithmetic3A : i32 to vector<16xi32>
            %shift_right_arithmetic3A_136 = arith.shrsi %sub3A_128, %shift_right_arithmetic3A_135 : vector<16xi32>
            %shift_left3A = arith.constant 13 : i32
            %shift_left3A_137 = vector.broadcast %shift_left3A : i32 to vector<16xi32>
            %shift_left3A_138 = arith.shli %shift_right_arithmetic3A_136, %shift_left3A_137 : vector<16xi32>
            %and3A_139 = arith.constant 7 : i32
            %and3A_140 = vector.broadcast %and3A_139 : i32 to vector<16xi32>
            %and3A_141 = arith.andi %sub3A_128, %and3A_140 : vector<16xi32>
            %shift_left3A_142 = arith.constant 7 : i32
            %shift_left3A_143 = vector.broadcast %shift_left3A_142 : i32 to vector<16xi32>
            %shift_left3A_144 = arith.shli %and3A_141, %shift_left3A_143 : vector<16xi32>
            %add3A_145 = arith.addi %shift_left3A_138, %shift_left3A_144 : vector<16xi32>
            %shift_right_arithmetic3A_146 = arith.constant 3 : i32
            %shift_right_arithmetic3A_147 = arith.shrsi %scan3A_122, %shift_right_arithmetic3A_146 : i32
            %shift_left3A_148 = arith.constant 10 : i32
            %shift_left3A_149 = arith.shli %shift_right_arithmetic3A_147, %shift_left3A_148 : i32
            %add3A_150 = vector.broadcast %shift_left3A_149 : i32 to vector<16xi32>
            %add3A_151 = arith.addi %add3A_145, %add3A_150 : vector<16xi32>
            %and3A_152 = arith.constant 7 : i32
            %and3A_153 = arith.andi %scan3A_122, %and3A_152 : i32
            %shift_left3A_154 = arith.constant 4 : i32
            %shift_left3A_155 = arith.shli %and3A_153, %shift_left3A_154 : i32
            %add3A_156 = vector.broadcast %shift_left3A_155 : i32 to vector<16xi32>
            %add3A_157 = arith.addi %add3A_151, %add3A_156 : vector<16xi32>
            %add3A_158 = arith.addi %add3A_157, %iota3A : vector<16xi32>
            tpu.vector_store_idx %arg8[%add3A_158], %get3A_3 masked %and3A_134 : memref<40960xf32, #tpu.memory_space<vmem>>[vector<16xi32>], vector<16xf32>, vector<16xi1>
          }
          %scan3A_121 = arith.constant 64 : i32
        } else {
        }
        %jit3A = arith.constant 25 : i32
        %div3A = arith.divsi %add3A_32, %jit3A : i32
        %sign3A = arith.constant 0 : i32
        %sign3A_52 = arith.cmpi sgt, %add3A_32, %sign3A : i32
        %sign3A_53 = arith.extui %sign3A_52 : i1 to i32
        %sign3A_54 = arith.constant 0 : i32
        %sign3A_55 = arith.cmpi slt, %add3A_32, %sign3A_54 : i32
        %sign3A_56 = arith.extui %sign3A_55 : i1 to i32
        %sign3A_57 = arith.subi %sign3A_53, %sign3A_56 : i32
        %sign3A_58 = arith.constant 0 : i32
        %sign3A_59 = arith.cmpi sgt, %jit3A, %sign3A_58 : i32
        %sign3A_60 = arith.extui %sign3A_59 : i1 to i32
        %sign3A_61 = arith.constant 0 : i32
        %sign3A_62 = arith.cmpi slt, %jit3A, %sign3A_61 : i32
        %sign3A_63 = arith.extui %sign3A_62 : i1 to i32
        %sign3A_64 = arith.subi %sign3A_60, %sign3A_63 : i32
        %ne3A = arith.cmpi ne, %sign3A_57, %sign3A_64 : i32
        %rem3A = arith.remsi %add3A_32, %jit3A : i32
        %ne3A_65 = arith.constant 0 : i32
        %ne3A_66 = arith.cmpi ne, %rem3A, %ne3A_65 : i32
        %and3A = arith.andi %ne3A, %ne3A_66 : i1
        %sub3A = arith.constant 1 : i32
        %sub3A_67 = arith.subi %div3A, %sub3A : i32
        %select_n3A = arith.select %and3A, %sub3A_67, %div3A : i32
        %jit3A_68 = arith.constant 25 : i32
        %eq3A = arith.constant 0 : i32
        %eq3A_69 = arith.cmpi eq, %jit3A_68, %eq3A : i32
        %jit3A_70 = arith.constant 1 : i32
        %select_n3A_71 = arith.select %eq3A_69, %jit3A_70, %jit3A_68 : i32
        %rem3A_72 = arith.remsi %add3A_32, %select_n3A_71 : i32
        %ne3A_73 = arith.constant 0 : i32
        %ne3A_74 = arith.cmpi ne, %rem3A_72, %ne3A_73 : i32
        %lt3A_75 = arith.constant 0 : i32
        %lt3A_76 = arith.cmpi slt, %rem3A_72, %lt3A_75 : i32
        %lt3A_77 = arith.constant 0 : i32
        %lt3A_78 = arith.cmpi slt, %select_n3A_71, %lt3A_77 : i32
        %ne3A_79 = arith.xori %lt3A_76, %lt3A_78 : i1
        %and3A_80 = arith.andi %ne3A_79, %ne3A_74 : i1
        %add3A_81 = arith.addi %rem3A_72, %select_n3A_71 : i32
        %select_n3A_82 = arith.select %and3A_80, %add3A_81, %rem3A_72 : i32
        %mul3A_83 = arith.constant 40 : i32
        %mul3A_84 = arith.muli %select_n3A_82, %mul3A_83 : i32
        "tpu.region"() ({
          %run_scoped3A = tpu.sem_alloc : memref<!tpu.dma_semaphore, #tpu.memory_space<semaphore_mem>>
          %dma_start3A_93 = arith.constant 0 : i32
          %dma_start3A_94 = tpu.memref_slice %arg2[%select_n3A, %dma_start3A_93] : memref<50x1024xi32, #tpu.memory_space<hbm>> -> memref<1x1024xi32, #tpu.memory_space<hbm>>
          %dma_start3A_95 = tpu.memref_squeeze %dma_start3A_94 : memref<1x1024xi32, #tpu.memory_space<hbm>> -> memref<1024xi32, #tpu.memory_space<hbm>>
          %dma_start3A_96 = arith.constant 0 : i32
          %dma_start3A_97 = tpu.memref_slice %arg2[%select_n3A, %dma_start3A_96] : memref<50x1024xi32, #tpu.memory_space<hbm>> -> memref<1x1024xi32, #tpu.memory_space<hbm>>
          %dma_start3A_98 = tpu.memref_squeeze %dma_start3A_97 : memref<1x1024xi32, #tpu.memory_space<hbm>> -> memref<1024xi32, #tpu.memory_space<hbm>>
          tpu.enqueue_dma source(%dma_start3A_98 : memref<1024xi32, #tpu.memory_space<hbm>>) target(%arg6 : memref<1024xi32, #tpu.memory_space<vmem>>) target_semaphore(%run_scoped3A : memref<!tpu.dma_semaphore, #tpu.memory_space<semaphore_mem>>)
          %dma_wait3A_99 = arith.constant 0 : i32
          %dma_wait3A_100 = tpu.memref_slice %arg2[%select_n3A, %dma_wait3A_99] : memref<50x1024xi32, #tpu.memory_space<hbm>> -> memref<1x1024xi32, #tpu.memory_space<hbm>>
          %dma_wait3A_101 = tpu.memref_squeeze %dma_wait3A_100 : memref<1x1024xi32, #tpu.memory_space<hbm>> -> memref<1024xi32, #tpu.memory_space<hbm>>
          %dma_wait3A_102 = arith.constant 0 : i32
          %dma_wait3A_103 = tpu.memref_slice %arg2[%select_n3A, %dma_wait3A_102] : memref<50x1024xi32, #tpu.memory_space<hbm>> -> memref<1x1024xi32, #tpu.memory_space<hbm>>
          %dma_wait3A_104 = tpu.memref_squeeze %dma_wait3A_103 : memref<1x1024xi32, #tpu.memory_space<hbm>> -> memref<1024xi32, #tpu.memory_space<hbm>>
          tpu.wait_dma2 semaphore(%run_scoped3A : memref<!tpu.dma_semaphore, #tpu.memory_space<semaphore_mem>>) src(%dma_wait3A_104 : memref<1024xi32, #tpu.memory_space<hbm>>) dst(%arg6 : memref<1024xi32, #tpu.memory_space<vmem>>)
          tpu.yield
        }) : () -> ()
        %scan3A_85 = arith.constant 0 : i32
        %scan3A_86 = arith.constant 64 : i32
        %scan3A_87 = arith.addi %scan3A_85, %scan3A_86 : i32
        %scan3A_88 = arith.constant 1 : i32
        scf.for %scan3A_93 = %scan3A_85 to %scan3A_87 step %scan3A_88  : i32 {
          %mul3A_94 = arith.constant 16 : i32
          %mul3A_95 = arith.muli %scan3A_93, %mul3A_94 : i32
          %get3A_96 = arith.index_cast %mul3A_95 : i32 to index
          %get3A_97 = tpu.vector_load %arg6[%get3A_96] {strides = array<i32>} : memref<1024xi32, #tpu.memory_space<vmem>>, vector<16xi32>,
          %sub3A_98 = vector.broadcast %mul3A_84 : i32 to vector<16xi32>
          %sub3A_99 = arith.subi %get3A_97, %sub3A_98 : vector<16xi32>
          %ge3A = arith.constant 0 : i32
          %ge3A_100 = vector.broadcast %ge3A : i32 to vector<16xi32>
          %ge3A_101 = arith.cmpi sge, %sub3A_99, %ge3A_100 : vector<16xi32>
          %lt3A_102 = arith.constant 40 : i32
          %lt3A_103 = vector.broadcast %lt3A_102 : i32 to vector<16xi32>
          %lt3A_104 = arith.cmpi slt, %sub3A_99, %lt3A_103 : vector<16xi32>
          %and3A_105 = arith.andi %ge3A_101, %lt3A_104 : vector<16xi1>
          %shift_right_arithmetic3A = arith.constant 3 : i32
          %shift_right_arithmetic3A_106 = vector.broadcast %shift_right_arithmetic3A : i32 to vector<16xi32>
          %shift_right_arithmetic3A_107 = arith.shrsi %sub3A_99, %shift_right_arithmetic3A_106 : vector<16xi32>
          %shift_left3A = arith.constant 13 : i32
          %shift_left3A_108 = vector.broadcast %shift_left3A : i32 to vector<16xi32>
          %shift_left3A_109 = arith.shli %shift_right_arithmetic3A_107, %shift_left3A_108 : vector<16xi32>
          %and3A_110 = arith.constant 7 : i32
          %and3A_111 = vector.broadcast %and3A_110 : i32 to vector<16xi32>
          %and3A_112 = arith.andi %sub3A_99, %and3A_111 : vector<16xi32>
          %shift_left3A_113 = arith.constant 7 : i32
          %shift_left3A_114 = vector.broadcast %shift_left3A_113 : i32 to vector<16xi32>
          %shift_left3A_115 = arith.shli %and3A_112, %shift_left3A_114 : vector<16xi32>
          %add3A_116 = arith.addi %shift_left3A_109, %shift_left3A_115 : vector<16xi32>
          %shift_right_arithmetic3A_117 = arith.constant 3 : i32
          %shift_right_arithmetic3A_118 = arith.shrsi %scan3A_93, %shift_right_arithmetic3A_117 : i32
          %shift_left3A_119 = arith.constant 10 : i32
          %shift_left3A_120 = arith.shli %shift_right_arithmetic3A_118, %shift_left3A_119 : i32
          %add3A_121 = vector.broadcast %shift_left3A_120 : i32 to vector<16xi32>
          %add3A_122 = arith.addi %add3A_116, %add3A_121 : vector<16xi32>
          %and3A_123 = arith.constant 7 : i32
          %and3A_124 = arith.andi %scan3A_93, %and3A_123 : i32
          %shift_left3A_125 = arith.constant 4 : i32
          %shift_left3A_126 = arith.shli %and3A_124, %shift_left3A_125 : i32
          %add3A_127 = vector.broadcast %shift_left3A_126 : i32 to vector<16xi32>
          %add3A_128 = arith.addi %add3A_122, %add3A_127 : vector<16xi32>
          %add3A_129 = arith.addi %add3A_128, %iota3A : vector<16xi32>
          tpu.vector_store_idx %arg8[%add3A_129], %get3A_1 masked %and3A_105 : memref<40960xf32, #tpu.memory_space<vmem>>[vector<16xi32>], vector<16xf32>, vector<16xi1>
        }
        %scan3A_89 = arith.constant 64 : i32
        %mul3A_90 = arith.constant 40960 : i32
        %mul3A_91 = arith.muli %add3A_32, %mul3A_90 : i32
        %dma_start3A = tpu.memref_slice %arg5[%mul3A_91] : memref<51200000xf32, #tpu.memory_space<hbm>> -> memref<40960xf32, #tpu.memory_space<hbm>>
        %dma_start3A_92 = tpu.memref_slice %arg5[%mul3A_91] : memref<51200000xf32, #tpu.memory_space<hbm>> -> memref<40960xf32, #tpu.memory_space<hbm>>
        tpu.enqueue_dma source(%arg8 : memref<40960xf32, #tpu.memory_space<vmem>>) target(%dma_start3A_92 : memref<40960xf32, #tpu.memory_space<hbm>>) target_semaphore(%arg12 : memref<!tpu.dma_semaphore, #tpu.memory_space<semaphore_mem>>)
      } else {
      }
      %mul3A_35 = arith.constant 2 : i32
      %mul3A_36 = arith.muli %mul3A_35, %scan3A_24 : i32
      %add3A_37 = arith.constant 1 : i32
      %add3A_38 = arith.addi %mul3A_36, %add3A_37 : i32
      %mul3A_39 = arith.constant 32 : i32
      %mul3A_40 = arith.muli %mul3A_39, %add3A_38 : i32
      %add3A_41 = arith.addi %add3A, %mul3A_40 : i32
      %lt3A_42 = arith.constant 1250 : i32
      %lt3A_43 = arith.cmpi slt, %add3A_41, %lt3A_42 : i32
      %convert_element_type3A_44 = arith.extui %lt3A_43 : i1 to i32
      %cond3A_45 = arith.constant 0 : i32
      %cond3A_46 = arith.cmpi ne, %convert_element_type3A_44, %cond3A_45 : i32
      scf.if %cond3A_46 {
        %gt3A = arith.constant 0 : i32
        %gt3A_48 = arith.cmpi sgt, %scan3A_24, %gt3A : i32
        %convert_element_type3A_49 = arith.extui %gt3A_48 : i1 to i32
        %cond3A_50 = arith.constant 0 : i32
        %cond3A_51 = arith.cmpi ne, %convert_element_type3A_49, %cond3A_50 : i32
        scf.if %cond3A_51 {
          %mul3A_93 = arith.constant 40960 : i32
          %mul3A_94 = arith.muli %add3A_41, %mul3A_93 : i32
          %dma_wait3A_95 = tpu.memref_slice %arg5[%mul3A_94] : memref<51200000xf32, #tpu.memory_space<hbm>> -> memref<40960xf32, #tpu.memory_space<hbm>>
          %dma_wait3A_96 = tpu.memref_slice %arg5[%mul3A_94] : memref<51200000xf32, #tpu.memory_space<hbm>> -> memref<40960xf32, #tpu.memory_space<hbm>>
          tpu.wait_dma2 semaphore(%arg13 : memref<!tpu.dma_semaphore, #tpu.memory_space<semaphore_mem>>) src(%arg9 : memref<40960xf32, #tpu.memory_space<vmem>>) dst(%dma_wait3A_96 : memref<40960xf32, #tpu.memory_space<hbm>>)
          %sub3A_97 = arith.constant 64 : i32
          %sub3A_98 = arith.subi %add3A_41, %sub3A_97 : i32
          %jit3A_99 = arith.constant 25 : i32
          %eq3A_100 = arith.constant 0 : i32
          %eq3A_101 = arith.cmpi eq, %jit3A_99, %eq3A_100 : i32
          %jit3A_102 = arith.constant 1 : i32
          %select_n3A_103 = arith.select %eq3A_101, %jit3A_102, %jit3A_99 : i32
          %rem3A_104 = arith.remsi %sub3A_98, %select_n3A_103 : i32
          %ne3A_105 = arith.constant 0 : i32
          %ne3A_106 = arith.cmpi ne, %rem3A_104, %ne3A_105 : i32
          %lt3A_107 = arith.constant 0 : i32
          %lt3A_108 = arith.cmpi slt, %rem3A_104, %lt3A_107 : i32
          %lt3A_109 = arith.constant 0 : i32
          %lt3A_110 = arith.cmpi slt, %select_n3A_103, %lt3A_109 : i32
          %ne3A_111 = arith.xori %lt3A_108, %lt3A_110 : i1
          %and3A_112 = arith.andi %ne3A_111, %ne3A_106 : i1
          %add3A_113 = arith.addi %rem3A_104, %select_n3A_103 : i32
          %select_n3A_114 = arith.select %and3A_112, %add3A_113, %rem3A_104 : i32
          %mul3A_115 = arith.constant 40 : i32
          %mul3A_116 = arith.muli %select_n3A_114, %mul3A_115 : i32
          %scan3A_117 = arith.constant 0 : i32
          %scan3A_118 = arith.constant 64 : i32
          %scan3A_119 = arith.addi %scan3A_117, %scan3A_118 : i32
          %scan3A_120 = arith.constant 1 : i32
          scf.for %scan3A_122 = %scan3A_117 to %scan3A_119 step %scan3A_120  : i32 {
            %mul3A_123 = arith.constant 16 : i32
            %mul3A_124 = arith.muli %scan3A_122, %mul3A_123 : i32
            %get3A_125 = arith.index_cast %mul3A_124 : i32 to index
            %get3A_126 = tpu.vector_load %arg7[%get3A_125] {strides = array<i32>} : memref<1024xi32, #tpu.memory_space<vmem>>, vector<16xi32>,
            %sub3A_127 = vector.broadcast %mul3A_116 : i32 to vector<16xi32>
            %sub3A_128 = arith.subi %get3A_126, %sub3A_127 : vector<16xi32>
            %ge3A = arith.constant 0 : i32
            %ge3A_129 = vector.broadcast %ge3A : i32 to vector<16xi32>
            %ge3A_130 = arith.cmpi sge, %sub3A_128, %ge3A_129 : vector<16xi32>
            %lt3A_131 = arith.constant 40 : i32
            %lt3A_132 = vector.broadcast %lt3A_131 : i32 to vector<16xi32>
            %lt3A_133 = arith.cmpi slt, %sub3A_128, %lt3A_132 : vector<16xi32>
            %and3A_134 = arith.andi %ge3A_130, %lt3A_133 : vector<16xi1>
            %shift_right_arithmetic3A = arith.constant 3 : i32
            %shift_right_arithmetic3A_135 = vector.broadcast %shift_right_arithmetic3A : i32 to vector<16xi32>
            %shift_right_arithmetic3A_136 = arith.shrsi %sub3A_128, %shift_right_arithmetic3A_135 : vector<16xi32>
            %shift_left3A = arith.constant 13 : i32
            %shift_left3A_137 = vector.broadcast %shift_left3A : i32 to vector<16xi32>
            %shift_left3A_138 = arith.shli %shift_right_arithmetic3A_136, %shift_left3A_137 : vector<16xi32>
            %and3A_139 = arith.constant 7 : i32
            %and3A_140 = vector.broadcast %and3A_139 : i32 to vector<16xi32>
            %and3A_141 = arith.andi %sub3A_128, %and3A_140 : vector<16xi32>
            %shift_left3A_142 = arith.constant 7 : i32
            %shift_left3A_143 = vector.broadcast %shift_left3A_142 : i32 to vector<16xi32>
            %shift_left3A_144 = arith.shli %and3A_141, %shift_left3A_143 : vector<16xi32>
            %add3A_145 = arith.addi %shift_left3A_138, %shift_left3A_144 : vector<16xi32>
            %shift_right_arithmetic3A_146 = arith.constant 3 : i32
            %shift_right_arithmetic3A_147 = arith.shrsi %scan3A_122, %shift_right_arithmetic3A_146 : i32
            %shift_left3A_148 = arith.constant 10 : i32
            %shift_left3A_149 = arith.shli %shift_right_arithmetic3A_147, %shift_left3A_148 : i32
            %add3A_150 = vector.broadcast %shift_left3A_149 : i32 to vector<16xi32>
            %add3A_151 = arith.addi %add3A_145, %add3A_150 : vector<16xi32>
            %and3A_152 = arith.constant 7 : i32
            %and3A_153 = arith.andi %scan3A_122, %and3A_152 : i32
            %shift_left3A_154 = arith.constant 4 : i32
            %shift_left3A_155 = arith.shli %and3A_153, %shift_left3A_154 : i32
            %add3A_156 = vector.broadcast %shift_left3A_155 : i32 to vector<16xi32>
            %add3A_157 = arith.addi %add3A_151, %add3A_156 : vector<16xi32>
            %add3A_158 = arith.addi %add3A_157, %iota3A : vector<16xi32>
            tpu.vector_store_idx %arg9[%add3A_158], %get3A_3 masked %and3A_134 : memref<40960xf32, #tpu.memory_space<vmem>>[vector<16xi32>], vector<16xf32>, vector<16xi1>
          }
          %scan3A_121 = arith.constant 64 : i32
        } else {
        }
        %jit3A = arith.constant 25 : i32
        %div3A = arith.divsi %add3A_41, %jit3A : i32
        %sign3A = arith.constant 0 : i32
        %sign3A_52 = arith.cmpi sgt, %add3A_41, %sign3A : i32
        %sign3A_53 = arith.extui %sign3A_52 : i1 to i32
        %sign3A_54 = arith.constant 0 : i32
        %sign3A_55 = arith.cmpi slt, %add3A_41, %sign3A_54 : i32
        %sign3A_56 = arith.extui %sign3A_55 : i1 to i32
        %sign3A_57 = arith.subi %sign3A_53, %sign3A_56 : i32
        %sign3A_58 = arith.constant 0 : i32
        %sign3A_59 = arith.cmpi sgt, %jit3A, %sign3A_58 : i32
        %sign3A_60 = arith.extui %sign3A_59 : i1 to i32
        %sign3A_61 = arith.constant 0 : i32
        %sign3A_62 = arith.cmpi slt, %jit3A, %sign3A_61 : i32
        %sign3A_63 = arith.extui %sign3A_62 : i1 to i32
        %sign3A_64 = arith.subi %sign3A_60, %sign3A_63 : i32
        %ne3A = arith.cmpi ne, %sign3A_57, %sign3A_64 : i32
        %rem3A = arith.remsi %add3A_41, %jit3A : i32
        %ne3A_65 = arith.constant 0 : i32
        %ne3A_66 = arith.cmpi ne, %rem3A, %ne3A_65 : i32
        %and3A = arith.andi %ne3A, %ne3A_66 : i1
        %sub3A = arith.constant 1 : i32
        %sub3A_67 = arith.subi %div3A, %sub3A : i32
        %select_n3A = arith.select %and3A, %sub3A_67, %div3A : i32
        %jit3A_68 = arith.constant 25 : i32
        %eq3A = arith.constant 0 : i32
        %eq3A_69 = arith.cmpi eq, %jit3A_68, %eq3A : i32
        %jit3A_70 = arith.constant 1 : i32
        %select_n3A_71 = arith.select %eq3A_69, %jit3A_70, %jit3A_68 : i32
        %rem3A_72 = arith.remsi %add3A_41, %select_n3A_71 : i32
        %ne3A_73 = arith.constant 0 : i32
        %ne3A_74 = arith.cmpi ne, %rem3A_72, %ne3A_73 : i32
        %lt3A_75 = arith.constant 0 : i32
        %lt3A_76 = arith.cmpi slt, %rem3A_72, %lt3A_75 : i32
        %lt3A_77 = arith.constant 0 : i32
        %lt3A_78 = arith.cmpi slt, %select_n3A_71, %lt3A_77 : i32
        %ne3A_79 = arith.xori %lt3A_76, %lt3A_78 : i1
        %and3A_80 = arith.andi %ne3A_79, %ne3A_74 : i1
        %add3A_81 = arith.addi %rem3A_72, %select_n3A_71 : i32
        %select_n3A_82 = arith.select %and3A_80, %add3A_81, %rem3A_72 : i32
        %mul3A_83 = arith.constant 40 : i32
        %mul3A_84 = arith.muli %select_n3A_82, %mul3A_83 : i32
        "tpu.region"() ({
          %run_scoped3A = tpu.sem_alloc : memref<!tpu.dma_semaphore, #tpu.memory_space<semaphore_mem>>
          %dma_start3A_93 = arith.constant 0 : i32
          %dma_start3A_94 = tpu.memref_slice %arg2[%select_n3A, %dma_start3A_93] : memref<50x1024xi32, #tpu.memory_space<hbm>> -> memref<1x1024xi32, #tpu.memory_space<hbm>>
          %dma_start3A_95 = tpu.memref_squeeze %dma_start3A_94 : memref<1x1024xi32, #tpu.memory_space<hbm>> -> memref<1024xi32, #tpu.memory_space<hbm>>
          %dma_start3A_96 = arith.constant 0 : i32
          %dma_start3A_97 = tpu.memref_slice %arg2[%select_n3A, %dma_start3A_96] : memref<50x1024xi32, #tpu.memory_space<hbm>> -> memref<1x1024xi32, #tpu.memory_space<hbm>>
          %dma_start3A_98 = tpu.memref_squeeze %dma_start3A_97 : memref<1x1024xi32, #tpu.memory_space<hbm>> -> memref<1024xi32, #tpu.memory_space<hbm>>
          tpu.enqueue_dma source(%dma_start3A_98 : memref<1024xi32, #tpu.memory_space<hbm>>) target(%arg7 : memref<1024xi32, #tpu.memory_space<vmem>>) target_semaphore(%run_scoped3A : memref<!tpu.dma_semaphore, #tpu.memory_space<semaphore_mem>>)
          %dma_wait3A_99 = arith.constant 0 : i32
          %dma_wait3A_100 = tpu.memref_slice %arg2[%select_n3A, %dma_wait3A_99] : memref<50x1024xi32, #tpu.memory_space<hbm>> -> memref<1x1024xi32, #tpu.memory_space<hbm>>
          %dma_wait3A_101 = tpu.memref_squeeze %dma_wait3A_100 : memref<1x1024xi32, #tpu.memory_space<hbm>> -> memref<1024xi32, #tpu.memory_space<hbm>>
          %dma_wait3A_102 = arith.constant 0 : i32
          %dma_wait3A_103 = tpu.memref_slice %arg2[%select_n3A, %dma_wait3A_102] : memref<50x1024xi32, #tpu.memory_space<hbm>> -> memref<1x1024xi32, #tpu.memory_space<hbm>>
          %dma_wait3A_104 = tpu.memref_squeeze %dma_wait3A_103 : memref<1x1024xi32, #tpu.memory_space<hbm>> -> memref<1024xi32, #tpu.memory_space<hbm>>
          tpu.wait_dma2 semaphore(%run_scoped3A : memref<!tpu.dma_semaphore, #tpu.memory_space<semaphore_mem>>) src(%dma_wait3A_104 : memref<1024xi32, #tpu.memory_space<hbm>>) dst(%arg7 : memref<1024xi32, #tpu.memory_space<vmem>>)
          tpu.yield
        }) : () -> ()
        %scan3A_85 = arith.constant 0 : i32
        %scan3A_86 = arith.constant 64 : i32
        %scan3A_87 = arith.addi %scan3A_85, %scan3A_86 : i32
        %scan3A_88 = arith.constant 1 : i32
        scf.for %scan3A_93 = %scan3A_85 to %scan3A_87 step %scan3A_88  : i32 {
          %mul3A_94 = arith.constant 16 : i32
          %mul3A_95 = arith.muli %scan3A_93, %mul3A_94 : i32
          %get3A_96 = arith.index_cast %mul3A_95 : i32 to index
          %get3A_97 = tpu.vector_load %arg7[%get3A_96] {strides = array<i32>} : memref<1024xi32, #tpu.memory_space<vmem>>, vector<16xi32>,
          %sub3A_98 = vector.broadcast %mul3A_84 : i32 to vector<16xi32>
          %sub3A_99 = arith.subi %get3A_97, %sub3A_98 : vector<16xi32>
          %ge3A = arith.constant 0 : i32
          %ge3A_100 = vector.broadcast %ge3A : i32 to vector<16xi32>
          %ge3A_101 = arith.cmpi sge, %sub3A_99, %ge3A_100 : vector<16xi32>
          %lt3A_102 = arith.constant 40 : i32
          %lt3A_103 = vector.broadcast %lt3A_102 : i32 to vector<16xi32>
          %lt3A_104 = arith.cmpi slt, %sub3A_99, %lt3A_103 : vector<16xi32>
          %and3A_105 = arith.andi %ge3A_101, %lt3A_104 : vector<16xi1>
          %shift_right_arithmetic3A = arith.constant 3 : i32
          %shift_right_arithmetic3A_106 = vector.broadcast %shift_right_arithmetic3A : i32 to vector<16xi32>
          %shift_right_arithmetic3A_107 = arith.shrsi %sub3A_99, %shift_right_arithmetic3A_106 : vector<16xi32>
          %shift_left3A = arith.constant 13 : i32
          %shift_left3A_108 = vector.broadcast %shift_left3A : i32 to vector<16xi32>
          %shift_left3A_109 = arith.shli %shift_right_arithmetic3A_107, %shift_left3A_108 : vector<16xi32>
          %and3A_110 = arith.constant 7 : i32
          %and3A_111 = vector.broadcast %and3A_110 : i32 to vector<16xi32>
          %and3A_112 = arith.andi %sub3A_99, %and3A_111 : vector<16xi32>
          %shift_left3A_113 = arith.constant 7 : i32
          %shift_left3A_114 = vector.broadcast %shift_left3A_113 : i32 to vector<16xi32>
          %shift_left3A_115 = arith.shli %and3A_112, %shift_left3A_114 : vector<16xi32>
          %add3A_116 = arith.addi %shift_left3A_109, %shift_left3A_115 : vector<16xi32>
          %shift_right_arithmetic3A_117 = arith.constant 3 : i32
          %shift_right_arithmetic3A_118 = arith.shrsi %scan3A_93, %shift_right_arithmetic3A_117 : i32
          %shift_left3A_119 = arith.constant 10 : i32
          %shift_left3A_120 = arith.shli %shift_right_arithmetic3A_118, %shift_left3A_119 : i32
          %add3A_121 = vector.broadcast %shift_left3A_120 : i32 to vector<16xi32>
          %add3A_122 = arith.addi %add3A_116, %add3A_121 : vector<16xi32>
          %and3A_123 = arith.constant 7 : i32
          %and3A_124 = arith.andi %scan3A_93, %and3A_123 : i32
          %shift_left3A_125 = arith.constant 4 : i32
          %shift_left3A_126 = arith.shli %and3A_124, %shift_left3A_125 : i32
          %add3A_127 = vector.broadcast %shift_left3A_126 : i32 to vector<16xi32>
          %add3A_128 = arith.addi %add3A_122, %add3A_127 : vector<16xi32>
          %add3A_129 = arith.addi %add3A_128, %iota3A : vector<16xi32>
          tpu.vector_store_idx %arg9[%add3A_129], %get3A_1 masked %and3A_105 : memref<40960xf32, #tpu.memory_space<vmem>>[vector<16xi32>], vector<16xf32>, vector<16xi1>
        }
        %scan3A_89 = arith.constant 64 : i32
        %mul3A_90 = arith.constant 40960 : i32
        %mul3A_91 = arith.muli %add3A_41, %mul3A_90 : i32
        %dma_start3A = tpu.memref_slice %arg5[%mul3A_91] : memref<51200000xf32, #tpu.memory_space<hbm>> -> memref<40960xf32, #tpu.memory_space<hbm>>
        %dma_start3A_92 = tpu.memref_slice %arg5[%mul3A_91] : memref<51200000xf32, #tpu.memory_space<hbm>> -> memref<40960xf32, #tpu.memory_space<hbm>>
        tpu.enqueue_dma source(%arg9 : memref<40960xf32, #tpu.memory_space<vmem>>) target(%dma_start3A_92 : memref<40960xf32, #tpu.memory_space<hbm>>) target_semaphore(%arg13 : memref<!tpu.dma_semaphore, #tpu.memory_space<semaphore_mem>>)
      } else {
      }
      %scan3A_47 = arith.constant 0 : i32
      scf.yield %scan3A_47 : i32
    }
    %scan3A_16 = arith.constant 20 : i32
    %mul3A_17 = arith.constant 0 : i32
    %mul3A_18 = arith.muli %add3A, %mul3A_17 : i32
    %dma_wait3A = tpu.memref_slice %arg5[%mul3A_18] : memref<51200000xf32, #tpu.memory_space<hbm>> -> memref<40960xf32, #tpu.memory_space<hbm>>
    %dma_wait3A_19 = tpu.memref_slice %arg5[%mul3A_18] : memref<51200000xf32, #tpu.memory_space<hbm>> -> memref<40960xf32, #tpu.memory_space<hbm>>
    tpu.wait_dma2 semaphore(%arg12 : memref<!tpu.dma_semaphore, #tpu.memory_space<semaphore_mem>>) src(%arg8 : memref<40960xf32, #tpu.memory_space<vmem>>) dst(%dma_wait3A_19 : memref<40960xf32, #tpu.memory_space<hbm>>)
    %mul3A_20 = arith.constant 0 : i32
    %mul3A_21 = arith.muli %add3A, %mul3A_20 : i32
    %dma_wait3A_22 = tpu.memref_slice %arg5[%mul3A_21] : memref<51200000xf32, #tpu.memory_space<hbm>> -> memref<40960xf32, #tpu.memory_space<hbm>>
    %dma_wait3A_23 = tpu.memref_slice %arg5[%mul3A_21] : memref<51200000xf32, #tpu.memory_space<hbm>> -> memref<40960xf32, #tpu.memory_space<hbm>>
    tpu.wait_dma2 semaphore(%arg13 : memref<!tpu.dma_semaphore, #tpu.memory_space<semaphore_mem>>) src(%arg9 : memref<40960xf32, #tpu.memory_space<vmem>>) dst(%dma_wait3A_23 : memref<40960xf32, #tpu.memory_space<hbm>>)
    return
  }
}

</mosaic_0001>

<sc_bundles>
// kernel: kernel.3.cloned.1.call-start
scs
__scs_entry_jumppad:
0x0: {  	(pc) =	sbr.rel $0x88, $3  }
0x1: {  	(tag) =	ssettag $0x0;
	lr =	simm.s32 $0x1  }
0x2: {  	[smem:$0x3F9E] =	sst lr;
	_ =	strace $0xD0000000  }
0x3: {  	_ = 	snop  }
0x4: {  	_ = 	snop  }
0x5: {  	_ = 	snop  }
0x6: {  	_ = 	snop  }
0x7: {  	_ = 	snop  }
__scs_overlays_trampoline_lowered:
0x8: {  	[smem:$0x3FAD] =	sst s0  }
0x9: {  	[smem:$0x3FAE] =	sst s1  }
0xa: {  	[smem:$0x3FAF] =	sst s2  }
0xb: {  	[smem:$0x3FB0] =	sst s3  }
0xc: {  	[smem:$0x3FB1] =	sst s4  }
0xd: {  	[smem:$0x3FB2] =	sst s5  }
0xe: {  	[smem:$0x3FB3] =	sst s6  }
0xf: {  	[smem:$0x3FB4] =	sst s7  }
0x10: {  	[smem:$0x3FB5] =	sst s8  }
0x11: {  	[smem:$0x3FB6] =	sst s9;
	s0 =	simm.s32 @!p0 $0x0  }
0x12: {  	s1 =	sld [smem:$0x3F9C];
	s0 =	simm.s32 @p0 $0x1  }
0x13: {  	[smem:$0x3FB7] =	sst s0;
	s0 =	simm.s32 @!p1 $0x0  }
0x14: {  	s2 =	sld [smem:$0x3F9B];
	s0 =	simm.s32 @p1 $0x1  }
0x15: {  	[smem:$0x3FB8] =	sst s0;
	s0 =	simm.s32 @!p2 $0x0  }
0x16: {  	s3 =	sld [smem:$0x3FDB];
	s0 =	simm.s32 @p2 $0x1  }
0x17: {  	s4 =	simm.s32 $0x1BF5;
	[smem:$0x3FBA] =	sst s0  }
0x18: {  	s0 =	sld [smem:$0x3F9D];
	_ =	swait.ge [sflag:s4], $0x0  }
0x19: {  	s7 =	sld [smem:$0x3F9E]  }
0x1a: {  	s8 =	sadd.s32 $0xFFFFE003, lr  }
0x1b: {  	s9 =	sadd.s32 $0xFFFFFEF7, lr;
	s5 =	simm.s32 $0xFFFFFFFF;
	p2 =	slt.u32 s8, $0xFFFFF086  }
0x1c: {  	p1 =	slt.u32 s9, $0xF7A;
	s5 =	simm.s32 @!p2 $0x0  }
0x1d: {  	s5 =	simm.s32 @p1 $0x1;
	p0 =	seq.s32 s7, s2  }
0x1e: {  	s7 =	smul.u32 @!p0 $0xF7A, s2;
	p2 =	seq.s32 @!p0 s5, $0x0  }
0x1f: {  	s9 =	smul.u32 $0xF7A, s1;
	s8 =	simm.s32 @!p0 $0x1BF5;
	p2 =	por !p2, p0  }
0x20: {  	[sflag:s8] =	ssyncset.s32 @!p0 $0xFFFFF086;
	s6 =	sadd.s32 @!p0 s3, s7;
	s7 =	simm.s32 @!p0 $0x108  }
0x21: {  	s3 =	sadd.s32 s3, s9;
	s6 =	sadd.s32 @!p0 $0x88, s6;
	s7 =	simm.s32 @p2 $0x1082  }
0x22: {  	[simem:s7], [sflag:s8] =	dma.local @!p0 [hbm:s6], $0xF7A  }
0x23: {  	s9 =	sor.u32 $0xD0000000, s2;
	s6 =	simm.s32 $0x108;
	_ =	swait.ge @!p0 [sflag:s8], $0x0  }
0x24: {  	s3 =	sadd.s32 $0x88, s3;
	s6 =	simm.s32 @!p1 $0x1082;
	[sflag:s4] =	ssyncset.s32 $0xFFFFF086  }
0x25: {  	[simem:s6], [sflag:s4] =	dma.local [hbm:s3], $0xF7A  }
0x26: {  	[smem:$0x3F9E] =	sst s1;
	(tag) =	ssettag s2;
	_ =	strace s9  }
0x27: {  	s1 =	sld [smem:$0x3FAE]  }
0x28: {  	s2 =	sld [smem:$0x3FAF]  }
0x29: {  	s4 =	sld [smem:$0x3FB1]  }
0x2a: {  	p0 =	seq.s32 s5, $0x0;
	s5 =	sld [smem:$0x3FB2]  }
0x2b: {  	s6 =	sld [smem:$0x3FB3]  }
0x2c: {  	s7 =	sld [smem:$0x3FB4]  }
0x2d: {  	s3 =	simm.s32 $0x108;
	s8 =	sld [smem:$0x3FB5]  }
0x2e: {  	s3 =	simm.s32 @!p0 $0x1082;
	s9 =	sld [smem:$0x3FB6]  }
0x2f: {  	lr =	sadd.s32 s0, s3;
	s0 =	sld [smem:$0x3FAD]  }
0x30: {  	s3 =	sld [smem:$0x3FB0]  }
0x31: {  	[smem:$0x3FB9] =	sst s10  }
0x32: {  	s10 =	sld [smem:$0x3FB7];
	_ =	sdelay $0x3  }
0x33: {  	p0 =	seq.s32 s10, $0x1;
	s10 =	sld [smem:$0x3FB9];
	_ =	sdelay $0x3  }
0x34: {  	[smem:$0x3FB9] =	sst s10  }
0x35: {  	s10 =	sld [smem:$0x3FB8];
	_ =	sdelay $0x3  }
0x36: {  	p1 =	seq.s32 s10, $0x1;
	s10 =	sld [smem:$0x3FB9];
	_ =	sdelay $0x3  }
0x37: {  	[smem:$0x3FB9] =	sst s10  }
0x38: {  	s10 =	sld [smem:$0x3FBA]  }
0x39: {  	_ = 	snop;
	(pc) =	sbr.ind lr, $3  }
0x3a: {  	_ = 	snop  }
0x3b: {  	_ = 	snop  }
0x3c: {  	p2 =	seq.s32 s10, $0x1;
	s10 =	sld [smem:$0x3FB9]  }
0x3d: {  	_ =	shalt  }
0x3e: {  	_ =	shalt  }
0x3f: {  	_ =	shalt  }
0x40: {  	_ =	shalt  }
0x41: {  	_ =	shalt  }
0x42: {  	_ =	shalt  }
0x43: {  	_ =	shalt  }
0x44: {  	_ =	shalt  }
0x45: {  	_ =	shalt  }
0x46: {  	_ =	shalt  }
0x47: {  	_ =	shalt  }
0x48: {  	_ =	shalt  }
0x49: {  	_ =	shalt  }
0x4a: {  	_ =	shalt  }
0x4b: {  	_ =	shalt  }
0x4c: {  	_ =	shalt  }
0x4d: {  	_ =	shalt  }
0x4e: {  	_ =	shalt  }
0x4f: {  	_ =	shalt  }
0x50: {  	_ =	shalt  }
0x51: {  	_ =	shalt  }
0x52: {  	_ =	shalt  }
0x53: {  	_ =	shalt  }
0x54: {  	_ =	shalt  }
0x55: {  	_ =	shalt  }
0x56: {  	_ =	shalt  }
0x57: {  	_ =	shalt  }
0x58: {  	_ =	shalt  }
0x59: {  	_ =	shalt  }
0x5a: {  	_ =	shalt  }
0x5b: {  	_ =	shalt  }
0x5c: {  	_ =	shalt  }
0x5d: {  	_ =	shalt  }
0x5e: {  	_ =	shalt  }
0x5f: {  	_ =	shalt  }
0x60: {  	_ =	shalt  }
0x61: {  	_ =	shalt  }
0x62: {  	_ =	shalt  }
0x63: {  	_ =	shalt  }
0x64: {  	_ =	shalt  }
0x65: {  	_ =	shalt  }
0x66: {  	_ =	shalt  }
0x67: {  	_ =	shalt  }
0x68: {  	_ =	shalt  }
0x69: {  	_ =	shalt  }
0x6a: {  	_ =	shalt  }
0x6b: {  	_ =	shalt  }
0x6c: {  	_ =	shalt  }
0x6d: {  	_ =	shalt  }
0x6e: {  	_ =	shalt  }
0x6f: {  	_ =	shalt  }
0x70: {  	_ =	shalt  }
0x71: {  	_ =	shalt  }
0x72: {  	_ =	shalt  }
0x73: {  	_ =	shalt  }
0x74: {  	_ =	shalt  }
0x75: {  	_ =	shalt  }
0x76: {  	_ =	shalt  }
0x77: {  	_ =	shalt  }
0x78: {  	_ =	shalt  }
0x79: {  	_ =	shalt  }
0x7a: {  	_ =	shalt  }
0x7b: {  	_ =	shalt  }
0x7c: {  	_ =	shalt  }
0x7d: {  	_ =	shalt  }
0x7e: {  	_ =	shalt  }
0x7f: {  	_ =	shalt  }
0x80: {  	_ =	shalt  }
0x81: {  	_ =	shalt  }
0x82: {  	_ =	shalt  }
0x83: {  	_ =	shalt  }
0x84: {  	_ =	shalt  }
0x85: {  	_ =	shalt  }
0x86: {  	_ =	shalt  }
0x87: {  	_ =	shalt  }
.Lfunc_end0:
.L_simem_size_0:
called_computation_lowered:
.L_overlay_start_0:
0x88: {  	s2 =	sld [smem:$0x3FD9]  }
0x89: {  	s3 =	sld [smem:$0x3FFE];
	_ =	sdelay $0x1  }
0x8a: {  	s1 =	srdreg.scid  }
0x8b: {  	s0 =	sand.u32 $0x1, s1  }
0x8c: {  	s17 =	sshll.u32 s0, $0xA;
	s2 =	sadd.s32 s3, s2  }
0x8d: {  	s2 =	sadd.s32 s2, s17  }
0x8e: {  	[smem:$0x3FC5] =	sst s2  }
0x8f: {  	_ = 	snop  }
0x90: {  	s2 =	sld [smem:$0x3FD0];
	(tm) =	ssettm $0x1  }
0x91: {  	s18 =	sld [smem:$0x3FFB];
	_ =	sdelay $0x3  }
0x92: {  	_ =	strace s18  }
0x93: {  	s3 =	sld [smem:$0x3FFC];
	_ =	sdelay $0x3  }
0x94: {  	_ =	strace s3  }
0x95: {  	s3 =	sld [smem:$0x3FFD];
	_ =	sdelay $0x3  }
0x96: {  	_ =	strace s3  }
0x97: {  	_ =	strace $0x8FFFFFFF  }
0x98: {  	s19 =	sld [smem:$0x3FDB];
	_ =	sdelay $0x1  }
0x99: {  	s4 =	simm.s32 $_scs_section_size  }
0x9a: {  	s5 =	simm.s32 $_size__tile_overlayer_lowered;
	s6 =	simm.s32 $_tile_overlayer_lowered  }
0x9b: {  	s22 =	simm.s32 $0x1BFF;
	s21 =	sshll.u32 s6, $0x1;
	s3 =	sadd.s32 s4, s19  }
0x9c: {  	s7 =	simm.s32 $0x0;
	s20 =	sshll.u32 s5, $0x1;
	s5 =	sadd.s32 s21, s3  }
0x9d: {  	[timem:s7], [sflag:s22] =	dma.local [hbm:s5], s20  }
0x9e: {  	_ =	swait.ge [sflag:s22], s20  }
0x9f: {  	s4 =	ssub.s32 $0x0, s20;
	[sflag:s22] =	ssyncset.done $0x0  }
0xa0: {  	[sflag:s22] =	ssyncadd.s32 s4;
	_ =	sdelay $0x1  }
0xa1: {  	s23 =	simm.s32 $0x1B8B  }
0xa2: {  	_ =	swait.ge [sflag:s23], $0x1  }
0xa3: {  	[sflag:s23] =	ssyncset.done $0x0  }
0xa4: {  	s25 =	simm.s32 $0x1B8E;
	s24 =	sld [smem:$0x3FFE];
	[sflag:s23] =	ssyncadd.s32 $0xFFFFFFFF  }
0xa5: {  	s26 =	simm.s32 $execute0_lowered;
	[smem:$0x3FD2] =	sst s25  }
0xa6: {  	s5 =	sshll.u32 s26, $0x1;
	_ =	strace $0x80000046;
	[dreg:$0x1] =	wrdreg $0xFFFFFFFF  }
0xa7: {  	s28 =	simm.s32 $_size_execute0_lowered;
	s3 =	sadd.s32 s3, s5;
	[dreg:$0x0] =	wrdreg $0x0  }
0xa8: {  	s5 =	sshll.u32 s28, $0x1;
	[dreg:$0x2] =	wrdreg s3  }
0xa9: {  	[dreg:$0x3] =	wrdreg s5  }
0xaa: {  	[dreg:$0x4] =	wrdreg $0xC0  }
0xab: {  	_ =	task [dreg:s7], $0x5FFFF  }
0xac: {  	[dreg:$0x1] =	wrdreg $0xFFFFFFFF  }
0xad: {  	[dreg:$0x0] =	wrdreg $0x60  }
0xae: {  	[dreg:$0x2] =	wrdreg s24  }
0xaf: {  	[dreg:$0x3] =	wrdreg s2  }
0xb0: {  	[dreg:$0x4] =	wrdreg $0x9  }
0xb1: {  	_ =	task.clear_ibuf [dreg:s7], $0x5FFFF;
	_ =	strace $0x90000046  }
0xb2: {  	s29 =	simm.s32 $0x9;
	_ =	strace $0x80000048  }
0xb3: {  	_ =	swait.ge [sflag:s29], $0x1  }
0xb4: {  	[sflag:s29] =	ssyncadd.s32 $0xFFFFFFFF  }
0xb5: {  	_ =	strace $0x90000048  }
0xb6: {  	_ =	sfence  }
0xb7: {  	s30 =	sld [smem:$0x0];
	_ =	sdelay $0x2  }
0xb8: {  	s31 =	sshll.u32 s1, $0xD;
	s1 =	sshrl.u32 s1, $0x2  }
0xb9: {  	s3 =	sand.u32 $0x4000, s31;
	s1 =	sadd.s32 s1, s30  }
0xba: {  	s0 =	sor.u32 s3, s0;
	s1 =	sshll.u32 s1, $0x11  }
0xbb: {  	s0 =	sor.u32 s1, s0  }
0xbc: {  	s0 =	sadd.s32 $0x8F2B, s0  }
0xbd: {  	[sflag:s0] =	ssyncadd.remote.s32 $0x1  }
0xbe: {  	_ =	sfence.sel $0xFFFF  }
0xbf: {  	[dreg:$0x0] =	wrdreg $0xFFFFFFFF;
	(pc) =	sbr.abs _section_cstart, $3  }
0xc0: {  	[dreg:$0x1] =	wrdreg $0xFFFFFFFF  }
0xc1: {  	_ =	task.clear_ibuf [dreg:s7], $0x2FFFF;
	_ =	strace $0x9FFFFFFF  }
0xc2: {  	(tm) =	ssettm $0x7FFFFFFF  }
0xc3: {  	_ =	shalt  }
tec
execute0_lowered:
.L_overlay_start_1:
0x0: {  	(tag) =	ssettag $0x1  }
0x1: {  	s7 =	rddreg [dreg:$0x0]  }
0x2: {  	s1 =	rddreg [dreg:$0x1]  }
0x3: {  	s0 =	rddreg [dreg:$0x2];
	s2 =	simm.s32 $0x0;
	s3 =	srdreg.scid  }
0x4: {  	s4 =	stileid.u32;
	s10 =	simm.s32 $0x14800;
	s11 =	simm.s32 $0x3  }
0x5: {  	s12 =	simm.s32 $0x14810;
	s13 =	simm.s32 $0x800;
	s14 =	simm.s32 $0xA800  }
.Ltmp0:
0x6: {  	s15 =	simm.s32 $0x2;
	s3 =	sand.u32 $0x1, s3;
	(pc) =	sbr.rel .LBB2_1-.Ltmp0, $4  }
0x7: {  	s16 =	simm.s32 $0x1;
	s17 =	simm.s32 $0x0;
	s8 =	ssub.s32 $0x2, s3  }
0x8: {  	[smem:$0x7FF] =	sst s2;
	s5 =	sadd.s32 $0x400, s7;
	s9 =	sshrl.u32 s8, $0x1  }
0x9: {  	s6 =	sadd.s32 $0x1E00, s7;
	s7 =	sadd.s32 $0x2000, s7;
	s9 =	ssub.s32 s8, s9  }
0xa: {  	v0 =	vlaneseq.u32;
	_ =	strace $0x80000047;
	s8 =	sshll.u32 s4, $0x1;
	s9 =	smax.u32 s9, $0x1  }
.LBB2_19:
0xb: {  	s17 =	sadd.s32 $0x1, s17  }
0xc: {  	_ =	swait.ge [sflag:s16], $0xA000;
	p0 =	sne.s32 s17, s9  }
.Ltmp1:
0xd: {  	[sflag:s16] =	ssyncset.done $0x0;
	(pc) =	sbr.rel @!p0 .LBB2_20-.Ltmp1, $4  }
0xe: {  	[sflag:s16] =	ssyncadd.s32 $0xFFFF6000  }
0xf: {  	_ =	swait.ge [sflag:s15], $0xA000  }
0x10: {  	[sflag:s15] =	ssyncset.done $0x0  }
0x11: {  	[sflag:s15] =	ssyncadd.s32 $0xFFFF6000  }
.LBB2_1:
0x12: {  	[tilespmem:s10], [sflag:$0x3] =	stream.linear.gather [hbm4b:s6+s2], $0x10, $0x38;
	[tilespmem:$0x14820] =	vst v63  }
0x13: {  	_ =	swait.ge [sflag:s11], $0x10  }
0x14: {  	[sflag:s11] =	ssyncset.done $0x0  }
0x15: {  	[sflag:s11] =	ssyncadd.s32 $0xFFFFFFF0  }
0x16: {  	[tilespmem:s12], [sflag:$0x3] =	stream.linear.gather [hbm4b:s7+s2], $0x10, $0x38;
	[tilespmem:$0x14820] =	vst v63  }
0x17: {  	_ =	swait.ge [sflag:s11], $0x10  }
0x18: {  	[sflag:s11] =	ssyncset.done $0x0  }
0x19: {  	[sflag:s11] =	ssyncadd.s32 $0xFFFFFFF0  }
0x1a: {  	v1 =	vld [tilespmem:$0x14800]  }
0x1b: {  	s18 =	simm.s32 $0x0;
	v2 =	vld [tilespmem:$0x14810]  }
.LBB2_2:
0x1c: {  	p0 =	sne.s32 s18, $0x27FC0  }
.Ltmp2:
0x1d: {  	_ = 	snop;
	(pc) =	sbr.rel @p0 .LBB2_2-.Ltmp2, $4  }
0x1e: {  	_ = 	snop  }
0x1f: {  	s19 =	sshra.s32 s18, $0x2  }
0x20: {  	[tilespmem:s19+$0x800] =	vst v2  }
0x21: {  	s18 =	sadd.s32 $0x40, s18;
	[tilespmem:s19+$0xA800] =	vst v2  }
.Ltmp3:
0x22: {  	(pc) =	sbr.rel .LBB2_4-.Ltmp3, $2  }
0x23: {  	_ =	sdelay $0x2  }
0x24: {  	s18 =	simm.s32 $0x0  }
.LBB2_18:
0x25: {  	s18 =	sadd.s32 $0x1, s18  }
0x26: {  	p0 =	sne.s32 s18, $0x14  }
.Ltmp4:
0x27: {  	_ = 	snop;
	(pc) =	sbr.rel @!p0 .LBB2_19-.Ltmp4, $1  }
0x28: {  	_ =	sdelay $0x3  }
.LBB2_4:
0x29: {  	p0 =	seq.s32 s18, $0x0  }
.Ltmp5:
0x2a: {  	_ = 	snop;
	(pc) =	sbr.rel @p0 .LBB2_8-.Ltmp5, $4  }
0x2b: {  	_ = 	snop  }
0x2c: {  	s19 =	sshll.u32 s18, $0x6  }
0x2d: {  	s19 =	sor.u32 s19, s8  }
0x2e: {  	s19 =	sor.u32 s3, s19  }
0x2f: {  	s20 =	sadd.s32 $0xFFFFFFC0, s19  }
0x30: {  	s21 =	sshll.u32 s20, $0x10  }
0x31: {  	s21 =	sshra.s32 s21, $0x10  }
0x32: {  	s21 =	smul.u32 $0x147B, s21;
	_ =	sdelay $0x1  }
0x33: {  	s22 =	sshrl.u32 s21, $0x1F;
	s21 =	sshra.s32 s21, $0x11  }
0x34: {  	s21 =	sadd.s32 s22, s21  }
0x35: {  	s21 =	smul.u32 $0x19, s21;
	_ =	sdelay $0x1  }
0x36: {  	_ =	swait.ge [sflag:s16], $0xA000;
	s20 =	ssub.s32 s20, s21  }
0x37: {  	[sflag:s16] =	ssyncset.done $0x0;
	s20 =	sshll.u32 s20, $0x10  }
0x38: {  	[sflag:s16] =	ssyncadd.s32 $0xFFFF6000;
	s21 =	sshra.s32 s20, $0x10;
	s20 =	simm.s32 $0x0  }
0x39: {  	p1 =	slt.s32 s21, $0x0;
	s22 =	sadd.s32 $0x19, s21;
	v4 =	vld [tilespmem:s20+$0x0]  }
0x3a: {  	s21 =	smov.u32 @p1 s22  }
0x3b: {  	s21 =	smul.u32 $0xFFFFFFD8, s21;
	_ =	sdelay $0x1  }
0x3c: {  	v3 =	vmov s21  }
0x3d: {  	s30 =	sand.u32 $0x1C00, s20;
	s31 =	sand.u32 $0x70, s20;
	v5 =	vadd.s32 v3, v4;
	v4 =	vshll.u32 v4, $0x7  }
0x3e: {  	s21 =	sor.u32 s30, s31;
	v6 =	vshll.u32 v5, $0xA;
	v4 =	vand.u32 $0x380, v4  }
0x3f: {  	v6 =	vand.u32 $0xFFFFE000, v6;
	v4 =	vor.u32 s21, v4  }
0x40: {  	vm0 =	vlt.u32 v5, $0x28;
	v4 =	vor.u32 v6, v4  }
0x41: {  	v4 =	vor.u32 v0, v4;
	_ =	sdelay $0x4  }
0x42: {  	s22 =	simm.s32 $0x10;
	[tilespmem:v4+s13+$0x0] =	vst.idx.msk vm0, v2  }
0x43: {  	s23 =	simm.s32 $0x100;
	s21 =	simm.s32 $0x80;
	v4 =	vld [tilespmem:s22+$0x0]  }
.LBB2_6:
0x44: {  	p1 =	sne.s32 s23, $0x1F80;
	_ =	sdelay $0x2  }
0x45: {  	s20 =	sadd.s32 $0x10, s20  }
0x46: {  	s24 =	sand.u32 $0x1C00, s21;
	s21 =	smov.u32 s23;
	s25 =	sand.u32 $0x70, s20;
	v5 =	vadd.s32 v3, v4;
	v4 =	vshll.u32 v4, $0x7  }
0x47: {  	s24 =	sor.u32 s24, s25;
	v6 =	vshll.u32 v5, $0xA;
	v4 =	vand.u32 $0x380, v4  }
0x48: {  	v6 =	vand.u32 $0xFFFFE000, v6;
	v4 =	vor.u32 s24, v4  }
0x49: {  	vm0 =	vlt.u32 v5, $0x28;
	v4 =	vor.u32 v6, v4  }
0x4a: {  	v4 =	vor.u32 v0, v4;
	_ =	sdelay $0x1  }
.Ltmp6:
0x4b: {  	(pc) =	sbr.rel @p1 .LBB2_6-.Ltmp6, $3  }
0x4c: {  	_ =	sdelay $0x1  }
0x4d: {  	s22 =	sadd.s32 $0x10, s22;
	[tilespmem:v4+s13+$0x0] =	vst.idx.msk vm0, v2  }
0x4e: {  	s23 =	sadd.s32 $0x80, s23;
	v4 =	vld [tilespmem:s22+$0x0]  }
0x4f: {  	_ =	sdelay $0x2  }
0x50: {  	s20 =	sadd.s32 $0x10, s20  }
0x51: {  	s21 =	sand.u32 $0x1C00, s21;
	s20 =	sand.u32 $0x70, s20;
	v3 =	vadd.s32 v3, v4;
	v63 =	vshll.u32 v4, $0x7  }
0x52: {  	s20 =	sor.u32 s21, s20;
	v5 =	vshll.u32 v3, $0xA;
	v4 =	vand.u32 $0x380, v63  }
0x53: {  	v5 =	vand.u32 $0xFFFFE000, v5;
	v4 =	vor.u32 s20, v4  }
0x54: {  	vm0 =	vlt.u32 v3, $0x28;
	v3 =	vor.u32 v5, v4  }
0x55: {  	v3 =	vor.u32 v0, v3;
	_ =	sdelay $0x4  }
0x56: {  	[tilespmem:v3+s13+$0x0] =	vst.idx.msk vm0, v2  }
.LBB2_8:
0x57: {  	s20 =	smulhi.u32 $0x51EB851F, s19;
	_ =	sdelay $0x1  }
0x58: {  	s21 =	sshrl.u32 s20, $0x3  }
0x59: {  	s20 =	sshll.u32 s21, $0x7  }
0x5a: {  	s22 =	sadd.s32 s5, s20;
	s20 =	simm.s32 $0x0  }
0x5b: {  	[tilespmem:s20], [sflag:$0x3] =	stream.linear.gather [hbm4b:s22+s20], $0x400, $0x38;
	[tilespmem:$0x14820] =	vst v63  }
0x5c: {  	_ =	swait.ge [sflag:s11], $0x400  }
0x5d: {  	[sflag:s11] =	ssyncset.done $0x0  }
0x5e: {  	s21 =	smul.u32 $0x19, s21;
	[sflag:s11] =	ssyncadd.s32 $0xFFFFFC00  }
0x5f: {  	v4 =	vld [tilespmem:s20+$0x0]  }
0x60: {  	s21 =	ssub.s32 s19, s21  }
0x61: {  	s21 =	smul.u32 $0xFFFFFFD8, s21;
	_ =	sdelay $0x1  }
0x62: {  	v3 =	vmov s21  }
0x63: {  	s30 =	sand.u32 $0x1C00, s20;
	s31 =	sand.u32 $0x70, s20;
	v5 =	vadd.s32 v3, v4;
	v4 =	vshll.u32 v4, $0x7  }
0x64: {  	s21 =	sor.u32 s30, s31;
	v6 =	vshll.u32 v5, $0xA;
	v4 =	vand.u32 $0x380, v4  }
0x65: {  	v6 =	vand.u32 $0xFFFFE000, v6;
	v4 =	vor.u32 s21, v4  }
0x66: {  	vm0 =	vlt.u32 v5, $0x28;
	v4 =	vor.u32 v6, v4  }
0x67: {  	v4 =	vor.u32 v0, v4;
	_ =	sdelay $0x4  }
0x68: {  	s22 =	simm.s32 $0x10;
	[tilespmem:v4+s13+$0x0] =	vst.idx.msk vm0, v1  }
0x69: {  	s23 =	simm.s32 $0x100;
	s21 =	simm.s32 $0x80;
	v4 =	vld [tilespmem:s22+$0x0]  }
.LBB2_9:
0x6a: {  	p1 =	sne.s32 s23, $0x1F80;
	_ =	sdelay $0x2  }
0x6b: {  	s20 =	sadd.s32 $0x10, s20  }
0x6c: {  	s24 =	sand.u32 $0x1C00, s21;
	s21 =	smov.u32 s23;
	s25 =	sand.u32 $0x70, s20;
	v5 =	vadd.s32 v3, v4;
	v4 =	vshll.u32 v4, $0x7  }
0x6d: {  	s24 =	sor.u32 s24, s25;
	v6 =	vshll.u32 v5, $0xA;
	v4 =	vand.u32 $0x380, v4  }
0x6e: {  	v6 =	vand.u32 $0xFFFFE000, v6;
	v4 =	vor.u32 s24, v4  }
0x6f: {  	vm0 =	vlt.u32 v5, $0x28;
	v4 =	vor.u32 v6, v4  }
0x70: {  	v4 =	vor.u32 v0, v4;
	_ =	sdelay $0x1  }
.Ltmp7:
0x71: {  	(pc) =	sbr.rel @p1 .LBB2_9-.Ltmp7, $3  }
0x72: {  	_ =	sdelay $0x1  }
0x73: {  	s22 =	sadd.s32 $0x10, s22;
	[tilespmem:v4+s13+$0x0] =	vst.idx.msk vm0, v1  }
0x74: {  	s23 =	sadd.s32 $0x80, s23;
	v4 =	vld [tilespmem:s22+$0x0]  }
0x75: {  	_ =	sdelay $0x2  }
0x76: {  	s20 =	sadd.s32 $0x10, s20  }
0x77: {  	s21 =	sand.u32 $0x1C00, s21;
	s20 =	sand.u32 $0x70, s20;
	v3 =	vadd.s32 v3, v4;
	v63 =	vshll.u32 v4, $0x7  }
0x78: {  	s20 =	sor.u32 s21, s20;
	v5 =	vshll.u32 v3, $0xA;
	v4 =	vand.u32 $0x380, v63  }
0x79: {  	v5 =	vand.u32 $0xFFFFE000, v5;
	v4 =	vor.u32 s20, v4  }
0x7a: {  	vm0 =	vlt.u32 v3, $0x28;
	v3 =	vor.u32 v5, v4  }
0x7b: {  	s31 =	smul.u32 $0x1400, s19;
	s19 =	sor.u32 $0x20, s19;
	v3 =	vor.u32 v0, v3  }
0x7c: {  	p1 =	sgt.u32 s19, $0x4E1  }
.Ltmp8:
0x7d: {  	_ = 	snop;
	(pc) =	sbr.rel @p1 .LBB2_18-.Ltmp8, $3  }
0x7e: {  	_ =	sdelay $0x1  }
0x7f: {  	s20 =	sadd.s32 s1, s31;
	[tilespmem:v3+s13+$0x0] =	vst.idx.msk vm0, v1  }
0x80: {  	[hbm4b:s20+s2] =	stream.linear.scatter [tilespmem:s13], [sflag:$0x1], $0xA000, $0x38;
	[tilespmem:$0x14820] =	vst v63  }
.Ltmp9:
0x81: {  	(pc) =	sbr.rel @p0 .LBB2_15-.Ltmp9, $1  }
0x82: {  	_ =	sdelay $0x3  }
0x83: {  	s20 =	sadd.s32 $0xFFFFFFC0, s19  }
0x84: {  	s21 =	sshll.u32 s20, $0x10  }
0x85: {  	s21 =	sshra.s32 s21, $0x10  }
0x86: {  	s21 =	smul.u32 $0x147B, s21;
	_ =	sdelay $0x1  }
0x87: {  	s22 =	sshrl.u32 s21, $0x1F;
	s21 =	sshra.s32 s21, $0x11  }
0x88: {  	s21 =	sadd.s32 s22, s21  }
0x89: {  	s21 =	smul.u32 $0x19, s21;
	_ =	sdelay $0x1  }
0x8a: {  	_ =	swait.ge [sflag:s15], $0xA000;
	s20 =	ssub.s32 s20, s21  }
0x8b: {  	[sflag:s15] =	ssyncset.done $0x0;
	s20 =	sshll.u32 s20, $0x10  }
0x8c: {  	s29 =	simm.s32 $0x400;
	[sflag:s15] =	ssyncadd.s32 $0xFFFF6000;
	s20 =	sshra.s32 s20, $0x10  }
0x8d: {  	v4 =	vld [tilespmem:s29+$0x0];
	p0 =	slt.s32 s20, $0x0;
	s22 =	sadd.s32 $0x19, s20  }
0x8e: {  	s20 =	smov.u32 @p0 s22  }
0x8f: {  	s20 =	smul.u32 $0xFFFFFFD8, s20;
	_ =	sdelay $0x1  }
0x90: {  	v3 =	vmov s20;
	s20 =	simm.s32 $0x0  }
0x91: {  	v5 =	vadd.s32 v3, v4;
	v4 =	vshll.u32 v4, $0x7;
	s30 =	sand.u32 $0x1C00, s20;
	s31 =	sand.u32 $0x70, s20  }
0x92: {  	v6 =	vshll.u32 v5, $0xA;
	v4 =	vand.u32 $0x380, v4;
	s21 =	sor.u32 s30, s31  }
0x93: {  	v6 =	vand.u32 $0xFFFFE000, v6;
	v4 =	vor.u32 s21, v4  }
0x94: {  	vm0 =	vlt.u32 v5, $0x28;
	v4 =	vor.u32 v6, v4  }
0x95: {  	v4 =	vor.u32 v0, v4;
	_ =	sdelay $0x4  }
0x96: {  	s22 =	simm.s32 $0x410;
	[tilespmem:v4+s14+$0x0] =	vst.idx.msk vm0, v2  }
0x97: {  	s23 =	simm.s32 $0x100;
	s21 =	simm.s32 $0x80;
	v4 =	vld [tilespmem:s22+$0x0]  }
.LBB2_13:
0x98: {  	p0 =	sne.s32 s23, $0x1F80;
	_ =	sdelay $0x2  }
0x99: {  	s20 =	sadd.s32 $0x10, s20  }
0x9a: {  	s24 =	sand.u32 $0x1C00, s21;
	s21 =	smov.u32 s23;
	s25 =	sand.u32 $0x70, s20;
	v5 =	vadd.s32 v3, v4;
	v4 =	vshll.u32 v4, $0x7  }
0x9b: {  	s24 =	sor.u32 s24, s25;
	v6 =	vshll.u32 v5, $0xA;
	v4 =	vand.u32 $0x380, v4  }
0x9c: {  	v6 =	vand.u32 $0xFFFFE000, v6;
	v4 =	vor.u32 s24, v4  }
0x9d: {  	vm0 =	vlt.u32 v5, $0x28;
	v4 =	vor.u32 v6, v4  }
0x9e: {  	v4 =	vor.u32 v0, v4;
	_ =	sdelay $0x1  }
.Ltmp10:
0x9f: {  	(pc) =	sbr.rel @p0 .LBB2_13-.Ltmp10, $3  }
0xa0: {  	_ =	sdelay $0x1  }
0xa1: {  	s22 =	sadd.s32 $0x10, s22;
	[tilespmem:v4+s14+$0x0] =	vst.idx.msk vm0, v2  }
0xa2: {  	s23 =	sadd.s32 $0x80, s23;
	v4 =	vld [tilespmem:s22+$0x0]  }
0xa3: {  	_ =	sdelay $0x2  }
0xa4: {  	s20 =	sadd.s32 $0x10, s20  }
0xa5: {  	s21 =	sand.u32 $0x1C00, s21;
	s20 =	sand.u32 $0x70, s20;
	v3 =	vadd.s32 v3, v4;
	v63 =	vshll.u32 v4, $0x7  }
0xa6: {  	s20 =	sor.u32 s21, s20;
	v5 =	vshll.u32 v3, $0xA;
	v4 =	vand.u32 $0x380, v63  }
0xa7: {  	v5 =	vand.u32 $0xFFFFE000, v5;
	v4 =	vor.u32 s20, v4  }
0xa8: {  	vm0 =	vlt.u32 v3, $0x28;
	v3 =	vor.u32 v5, v4  }
0xa9: {  	v3 =	vor.u32 v0, v3;
	_ =	sdelay $0x4  }
0xaa: {  	[tilespmem:v3+s14+$0x0] =	vst.idx.msk vm0, v2  }
.LBB2_15:
0xab: {  	s20 =	smul.u32 $0x47AF, s19;
	_ =	sdelay $0x1  }
0xac: {  	s20 =	sshrl.u32 s20, $0x10  }
0xad: {  	s21 =	ssub.s32 s19, s20  }
0xae: {  	s21 =	sand.u32 $0xFFFE, s21  }
0xaf: {  	s21 =	sshrl.u32 s21, $0x1  }
0xb0: {  	s20 =	sadd.s32 s20, s21  }
0xb1: {  	s21 =	sshll.u32 s20, $0x3  }
0xb2: {  	s23 =	simm.s32 $0x400;
	s28 =	sand.u32 $0xFF80, s21  }
0xb3: {  	s22 =	sand.u32 $0xFFF0, s20;
	s20 =	simm.s32 $0x0;
	s21 =	sadd.s32 s28, s5  }
0xb4: {  	[tilespmem:s23], [sflag:$0x3] =	stream.linear.gather [hbm4b:s21+s20], $0x400, $0x38;
	[tilespmem:$0x14820] =	vst v63  }
0xb5: {  	s29 =	sshrl.u32 s22, $0x4;
	_ =	swait.ge [sflag:s11], $0x400  }
0xb6: {  	s21 =	smul.u32 $0x19, s29;
	[sflag:s11] =	ssyncset.done $0x0  }
0xb7: {  	[sflag:s11] =	ssyncadd.s32 $0xFFFFFC00  }
0xb8: {  	s21 =	ssub.s32 s19, s21;
	v4 =	vld [tilespmem:s23+$0x0]  }
0xb9: {  	s21 =	sand.u32 $0xFFFF, s21  }
0xba: {  	s21 =	smul.u32 $0xFFFFFFD8, s21;
	_ =	sdelay $0x1  }
0xbb: {  	v3 =	vmov s21  }
0xbc: {  	s30 =	sand.u32 $0x1C00, s20;
	s31 =	sand.u32 $0x70, s20;
	v5 =	vadd.s32 v3, v4;
	v4 =	vshll.u32 v4, $0x7  }
0xbd: {  	s21 =	sor.u32 s30, s31;
	v6 =	vshll.u32 v5, $0xA;
	v4 =	vand.u32 $0x380, v4  }
0xbe: {  	v6 =	vand.u32 $0xFFFFE000, v6;
	v4 =	vor.u32 s21, v4  }
0xbf: {  	vm0 =	vlt.u32 v5, $0x28;
	v4 =	vor.u32 v6, v4  }
0xc0: {  	v4 =	vor.u32 v0, v4;
	_ =	sdelay $0x4  }
0xc1: {  	s22 =	simm.s32 $0x410;
	[tilespmem:v4+s14+$0x0] =	vst.idx.msk vm0, v1  }
0xc2: {  	s23 =	simm.s32 $0x100;
	s21 =	simm.s32 $0x80;
	v4 =	vld [tilespmem:s22+$0x0]  }
.LBB2_16:
0xc3: {  	p0 =	sne.s32 s23, $0x1F80;
	_ =	sdelay $0x2  }
0xc4: {  	s20 =	sadd.s32 $0x10, s20  }
0xc5: {  	s24 =	sand.u32 $0x1C00, s21;
	s21 =	smov.u32 s23;
	s25 =	sand.u32 $0x70, s20;
	v5 =	vadd.s32 v3, v4;
	v4 =	vshll.u32 v4, $0x7  }
0xc6: {  	s24 =	sor.u32 s24, s25;
	v6 =	vshll.u32 v5, $0xA;
	v4 =	vand.u32 $0x380, v4  }
0xc7: {  	v6 =	vand.u32 $0xFFFFE000, v6;
	v4 =	vor.u32 s24, v4  }
0xc8: {  	vm0 =	vlt.u32 v5, $0x28;
	v4 =	vor.u32 v6, v4  }
0xc9: {  	v4 =	vor.u32 v0, v4;
	_ =	sdelay $0x1  }
.Ltmp11:
0xca: {  	(pc) =	sbr.rel @p0 .LBB2_16-.Ltmp11, $3  }
0xcb: {  	_ =	sdelay $0x1  }
0xcc: {  	s22 =	sadd.s32 $0x10, s22;
	[tilespmem:v4+s14+$0x0] =	vst.idx.msk vm0, v1  }
0xcd: {  	s23 =	sadd.s32 $0x80, s23;
	v4 =	vld [tilespmem:s22+$0x0]  }
0xce: {  	_ =	sdelay $0x2  }
0xcf: {  	s20 =	sadd.s32 $0x10, s20  }
0xd0: {  	s21 =	sand.u32 $0x1C00, s21;
	s20 =	sand.u32 $0x70, s20;
	v3 =	vadd.s32 v3, v4;
	v63 =	vshll.u32 v4, $0x7  }
0xd1: {  	s20 =	sor.u32 s21, s20;
	v5 =	vshll.u32 v3, $0xA;
	v4 =	vand.u32 $0x380, v63  }
0xd2: {  	v5 =	vand.u32 $0xFFFFE000, v5;
	v4 =	vor.u32 s20, v4  }
0xd3: {  	vm0 =	vlt.u32 v3, $0x28;
	v3 =	vor.u32 v5, v4  }
0xd4: {  	v3 =	vor.u32 v0, v3;
	_ =	sdelay $0x1  }
.Ltmp12:
0xd5: {  	_ = 	snop;
	(pc) =	sbr.rel .LBB2_18-.Ltmp12, $3  }
0xd6: {  	s19 =	smul.u32 $0x1400, s19;
	_ =	sdelay $0x1  }
0xd7: {  	s19 =	sadd.s32 s1, s19;
	[tilespmem:v3+s14+$0x0] =	vst.idx.msk vm0, v1  }
0xd8: {  	[hbm4b:s19+s2] =	stream.linear.scatter [tilespmem:s14], [sflag:$0x2], $0xA000, $0x38;
	[tilespmem:$0x14820] =	vst v63  }
.LBB2_20:
0xd9: {  	_ =	sfence.sel $0x180000  }
0xda: {  	[bflag:$0x0] =	sbarrier.arrive $0xFFFF  }
0xdb: {  	p0 =	sne.s32 s4, $0x0;
	_ =	strace $0x90000047  }
0xdc: {  	s0 =	sadd.s32 @!p0 $0x100000, s0;
	[bflag:$0x2] =	sbarrier.arrive $0xFFFF  }
0xdd: {  	[sflag:s0] =	ssyncadd.tile.s32 @!p0 $0x1;
	_ =	shalt  }
.Lfunc_end2:
_tile_overlayer_lowered:
.L_overlay_start_2:
0xde: {  	(tag) =	ssettag $0x2  }
0xdf: {  	s0 =	rddreg [dreg:$0x0];
	s2 =	stileid.u32  }
0xe0: {  	s1 =	rddreg [dreg:$0x1];
	p0 =	sne.s32 s2, $0x0  }
0xe1: {  	s3 =	rddreg [dreg:$0x2];
	[bflag:$0x3] =	sbarrier.arrive $0xFFFF;
	s2 =	simm.s32 @!p0 $0x1C03  }
0xe2: {  	[timem:s3], [sflag:s2] =	dma.local @!p0 [hbm:s0], s1  }
0xe3: {  	s0 =	simm.s32 @!p0 $0x3  }
0xe4: {  	_ =	swait.ge @!p0 [sflag:s0], s1  }
0xe5: {  	s1 =	ssub.s32 @!p0 $0x0, s1;
	[sflag:s0] =	ssyncset.done @!p0 $0x0  }
0xe6: {  	[sflag:s0] =	ssyncadd.s32 @!p0 s1  }
0xe7: {  	[bflag:$0x3] =	sbarrier.arrive $0xFFFF  }
0xe8: {  	_ =	shalt  }

</sc_bundles>
